<compile_context>
chip_gen: v7x
topology: tpu7x:2x2x1
jax: 0.10.2.dev20260603
libtpu: 0.0.44.dev20260713+nightly
codegen_flags: <defaults>
</compile_context>

<pallas_src>
import functools

import jax
import jax.numpy as jnp
from jax import lax
from jax.experimental import pallas as pl
from jax.experimental.pallas import tpu as pltpu
from jax.experimental.pallas import tpu_sc as plsc

B, H, Q, D = 16, 16, 16, 128
TOT = B * H * Q * D
NW = 32
PER = TOT // NW

_mesh = plsc.VectorSubcoreMesh(core_axis_name="c", subcore_axis_name="s")


NSC = 2
PERC = TOT // NSC

_smesh = plsc.ScalarSubcoreMesh(axis_name="c", num_cores=NSC)


@functools.partial(
    pl.kernel,
    out_type=jax.ShapeDtypeStruct((NSC, PERC), jnp.float32),
    mesh=_smesh,
    scratch_types=[
        pltpu.VMEM_SHARED((PERC,), jnp.float32),
        pltpu.SemaphoreType.DMA,
    ],
)
def _scatter_copy_one(k_hbm, ko_hbm, kbuf, ksem):
    cid = lax.axis_index("c")
    pltpu.async_copy(k_hbm.at[cid], kbuf, ksem).wait()
    pltpu.async_copy(kbuf, ko_hbm.at[cid], ksem).wait()


def _tc_copy_body(x_ref, o_ref):
    o_ref[...] = x_ref[...]


_tc_copy = pl.pallas_call(
    _tc_copy_body,
    out_shape=jax.ShapeDtypeStruct((B * H * Q, D), jnp.float32),
)


def kernel(k_val, v_val, k_cache, v_cache):
    ko = _scatter_copy_one(k_val.reshape(NSC, PERC))
    vo = _tc_copy(v_val.reshape(B * H * Q, D))
    return (ko.reshape(B, H, Q, D), vo.reshape(B, H, Q, D))

# --- scband reference (transcript-rebuilt; emitter-appended) ---
"""Pipeline reference for scband-kvcache-25769803776711 (READ-ONLY COPY).

The authoritative reference and input builder live on the scoring server;
editing this copy changes nothing except your own understanding.
"""

import jax, jax.numpy as jnp
import numpy as np

B, H, MAX_S, D = 16, 16, 2048, 128
Q = 16
POS = 0  # module starts with current_seq_len = 0


def setup_inputs(seed: int = 0) -> dict:
    key = jax.random.key(seed)
    k1, k2 = jax.random.split(key)
    return {
        "k_val": jax.random.normal(k1, (B, H, Q, D), dtype=jnp.float32),
        "v_val": jax.random.normal(k2, (B, H, Q, D), dtype=jnp.float32),
        "k_cache": jnp.zeros((B, H, MAX_S, D), dtype=jnp.float32),
        "v_cache": jnp.zeros((B, H, MAX_S, D), dtype=jnp.float32),
    }


def reference(k_val, v_val, k_cache, v_cache):
    # KVCache.update: scatter-overwrite k_val/v_val into the cache at
    # positions [POS, POS + seq_len), then return the valid prefix.
    seq_len = k_val.shape[2]
    assert seq_len == v_val.shape[2]
    new_seq_len = POS + seq_len
    assert new_seq_len <= k_cache.shape[2]
    k_cache = jax.lax.dynamic_update_slice(k_cache, k_val, (0, 0, POS, 0))
    v_cache = jax.lax.dynamic_update_slice(v_cache, v_val, (0, 0, POS, 0))
    return (k_cache[:, :, :new_seq_len], v_cache[:, :, :new_seq_len])

if __name__ == "__main__":
    import jax
    _d = setup_inputs()
    print(jax.jit(kernel)(*tuple(_d.values())))

</pallas_src>

<mosaic_0001>
#map = affine_map<(d0) -> (0, 0)>
module attributes {stable_mosaic.version = 14 : i64} {
  func.func @_scatter_copy_one(%arg0: i32, %arg1: memref<2x262144xf32, #tpu.memory_space<hbm>>, %arg2: memref<2x262144xf32, #tpu.memory_space<hbm>>, %arg3: memref<262144xf32, #tpu.memory_space<vmem_shared>>, %arg4: memref<!tpu.dma_semaphore, #tpu.memory_space<semaphore_mem>>) attributes {dimension_semantics = [#tpu.dimension_semantics<core_parallel>], iteration_bounds = array<i64: 2>, scalar_prefetch = 0 : i64, scratch_operands = 2 : i64, tpu.core_type = #tpu.core_type<sc_scalar_subcore>, window_params = [{transform_indices = #map}, {transform_indices = #map}]} {
    %dma_start3A = arith.constant 0 : i32
    %dma_start3A_0 = tpu.memref_slice %arg1[%arg0, %dma_start3A] : memref<2x262144xf32, #tpu.memory_space<hbm>> -> memref<1x262144xf32, #tpu.memory_space<hbm>>
    %dma_start3A_1 = tpu.memref_squeeze %dma_start3A_0 : memref<1x262144xf32, #tpu.memory_space<hbm>> -> memref<262144xf32, #tpu.memory_space<hbm>>
    tpu.enqueue_dma source(%dma_start3A_1 : memref<262144xf32, #tpu.memory_space<hbm>>) target(%arg3 : memref<262144xf32, #tpu.memory_space<vmem_shared>>) target_semaphore(%arg4 : memref<!tpu.dma_semaphore, #tpu.memory_space<semaphore_mem>>)
    %dma_wait3A = arith.constant 0 : i32
    %dma_wait3A_2 = tpu.memref_slice %arg1[%arg0, %dma_wait3A] : memref<2x262144xf32, #tpu.memory_space<hbm>> -> memref<1x262144xf32, #tpu.memory_space<hbm>>
    %dma_wait3A_3 = tpu.memref_squeeze %dma_wait3A_2 : memref<1x262144xf32, #tpu.memory_space<hbm>> -> memref<262144xf32, #tpu.memory_space<hbm>>
    tpu.wait_dma2 semaphore(%arg4 : memref<!tpu.dma_semaphore, #tpu.memory_space<semaphore_mem>>) src(%dma_wait3A_3 : memref<262144xf32, #tpu.memory_space<hbm>>) dst(%arg3 : memref<262144xf32, #tpu.memory_space<vmem_shared>>)
    %dma_start3A_4 = arith.constant 0 : i32
    %dma_start3A_5 = tpu.memref_slice %arg2[%arg0, %dma_start3A_4] : memref<2x262144xf32, #tpu.memory_space<hbm>> -> memref<1x262144xf32, #tpu.memory_space<hbm>>
    %dma_start3A_6 = tpu.memref_squeeze %dma_start3A_5 : memref<1x262144xf32, #tpu.memory_space<hbm>> -> memref<262144xf32, #tpu.memory_space<hbm>>
    tpu.enqueue_dma source(%arg3 : memref<262144xf32, #tpu.memory_space<vmem_shared>>) target(%dma_start3A_6 : memref<262144xf32, #tpu.memory_space<hbm>>) target_semaphore(%arg4 : memref<!tpu.dma_semaphore, #tpu.memory_space<semaphore_mem>>)
    %dma_wait3A_7 = arith.constant 0 : i32
    %dma_wait3A_8 = tpu.memref_slice %arg2[%arg0, %dma_wait3A_7] : memref<2x262144xf32, #tpu.memory_space<hbm>> -> memref<1x262144xf32, #tpu.memory_space<hbm>>
    %dma_wait3A_9 = tpu.memref_squeeze %dma_wait3A_8 : memref<1x262144xf32, #tpu.memory_space<hbm>> -> memref<262144xf32, #tpu.memory_space<hbm>>
    tpu.wait_dma2 semaphore(%arg4 : memref<!tpu.dma_semaphore, #tpu.memory_space<semaphore_mem>>) src(%arg3 : memref<262144xf32, #tpu.memory_space<vmem_shared>>) dst(%dma_wait3A_9 : memref<262144xf32, #tpu.memory_space<hbm>>)
    return
  }
}

module attributes {stable_mosaic.version = 14 : i64} {
  func.func @_tc_copy_body(%arg0: memref<4096x128xf32, #tpu.memory_space<vmem>>, %arg1: memref<4096x128xf32, #tpu.memory_space<vmem>>) attributes {dimension_semantics = [], scalar_prefetch = 0 : i64, scratch_operands = 0 : i64, tpu.core_type = #tpu.core_type<tc>} {
    %get3A = arith.constant 0 : index
    %get3A_0 = arith.constant 0 : index
    %get3A_1 = vector.load %arg0[%get3A, %get3A_0] : memref<4096x128xf32, #tpu.memory_space<vmem>>, vector<4096x128xf32>
    %swap3A = arith.constant 0 : index
    %swap3A_2 = arith.constant 0 : index
    %swap3A_3 = vector.load %arg1[%swap3A, %swap3A_2] : memref<4096x128xf32, #tpu.memory_space<vmem>>, vector<4096x128xf32>
    tpu.vector_store %arg1[%swap3A, %swap3A_2], %get3A_1 {strides = array<i32>} : memref<4096x128xf32, #tpu.memory_space<vmem>>, vector<4096x128xf32>,
    return
  }
}

</mosaic_0001>

<sc_bundles>
// kernel: kernel.4.cloned.1.call-start
scs
__scs_entry_jumppad:
0x0: {  	(pc) =	sbr.rel $0x88, $3  }
0x1: {  	(tag) =	ssettag $0x0;
	lr =	simm.s32 $0x1  }
0x2: {  	[smem:$0x3F9F] =	sst lr;
	_ =	strace $0xD0000000  }
0x3: {  	_ = 	snop  }
0x4: {  	_ = 	snop  }
0x5: {  	_ = 	snop  }
0x6: {  	_ = 	snop  }
0x7: {  	_ = 	snop  }
__scs_overlays_trampoline_lowered:
0x8: {  	[smem:$0x3FAE] =	sst s0  }
0x9: {  	[smem:$0x3FAF] =	sst s1  }
0xa: {  	[smem:$0x3FB0] =	sst s2  }
0xb: {  	[smem:$0x3FB1] =	sst s3  }
0xc: {  	[smem:$0x3FB2] =	sst s4  }
0xd: {  	[smem:$0x3FB3] =	sst s5  }
0xe: {  	[smem:$0x3FB4] =	sst s6  }
0xf: {  	[smem:$0x3FB5] =	sst s7  }
0x10: {  	[smem:$0x3FB6] =	sst s8  }
0x11: {  	[smem:$0x3FB7] =	sst s9;
	s0 =	simm.s32 @!p0 $0x0  }
0x12: {  	s1 =	sld [smem:$0x3F9D];
	s0 =	simm.s32 @p0 $0x1  }
0x13: {  	[smem:$0x3FB8] =	sst s0;
	s0 =	simm.s32 @!p1 $0x0  }
0x14: {  	s2 =	sld [smem:$0x3F9C];
	s0 =	simm.s32 @p1 $0x1  }
0x15: {  	[smem:$0x3FB9] =	sst s0;
	s0 =	simm.s32 @!p2 $0x0  }
0x16: {  	s3 =	sld [smem:$0x3FDB];
	s0 =	simm.s32 @p2 $0x1  }
0x17: {  	s4 =	simm.s32 $0x1BF5;
	[smem:$0x3FBB] =	sst s0  }
0x18: {  	s0 =	sld [smem:$0x3F9E];
	_ =	swait.ge [sflag:s4], $0x0  }
0x19: {  	s7 =	sld [smem:$0x3F9F]  }
0x1a: {  	s8 =	sadd.s32 $0xFFFFE003, lr  }
0x1b: {  	s9 =	sadd.s32 $0xFFFFFEF7, lr;
	s5 =	simm.s32 $0xFFFFFFFF;
	p2 =	slt.u32 s8, $0xFFFFF086  }
0x1c: {  	p1 =	slt.u32 s9, $0xF7A;
	s5 =	simm.s32 @!p2 $0x0  }
0x1d: {  	s5 =	simm.s32 @p1 $0x1;
	p0 =	seq.s32 s7, s2  }
0x1e: {  	s7 =	smul.u32 @!p0 $0xF7A, s2;
	p2 =	seq.s32 @!p0 s5, $0x0  }
0x1f: {  	s9 =	smul.u32 $0xF7A, s1;
	s8 =	simm.s32 @!p0 $0x1BF5;
	p2 =	por !p2, p0  }
0x20: {  	[sflag:s8] =	ssyncset.s32 @!p0 $0xFFFFF086;
	s6 =	sadd.s32 @!p0 s3, s7;
	s7 =	simm.s32 @!p0 $0x108  }
0x21: {  	s3 =	sadd.s32 s3, s9;
	s6 =	sadd.s32 @!p0 $0x88, s6;
	s7 =	simm.s32 @p2 $0x1082  }
0x22: {  	[simem:s7], [sflag:s8] =	dma.local @!p0 [hbm:s6], $0xF7A  }
0x23: {  	s9 =	sor.u32 $0xD0000000, s2;
	s6 =	simm.s32 $0x108;
	_ =	swait.ge @!p0 [sflag:s8], $0x0  }
0x24: {  	s3 =	sadd.s32 $0x88, s3;
	s6 =	simm.s32 @!p1 $0x1082;
	[sflag:s4] =	ssyncset.s32 $0xFFFFF086  }
0x25: {  	[simem:s6], [sflag:s4] =	dma.local [hbm:s3], $0xF7A  }
0x26: {  	[smem:$0x3F9F] =	sst s1;
	(tag) =	ssettag s2;
	_ =	strace s9  }
0x27: {  	s1 =	sld [smem:$0x3FAF]  }
0x28: {  	s2 =	sld [smem:$0x3FB0]  }
0x29: {  	s4 =	sld [smem:$0x3FB2]  }
0x2a: {  	p0 =	seq.s32 s5, $0x0;
	s5 =	sld [smem:$0x3FB3]  }
0x2b: {  	s6 =	sld [smem:$0x3FB4]  }
0x2c: {  	s7 =	sld [smem:$0x3FB5]  }
0x2d: {  	s3 =	simm.s32 $0x108;
	s8 =	sld [smem:$0x3FB6]  }
0x2e: {  	s3 =	simm.s32 @!p0 $0x1082;
	s9 =	sld [smem:$0x3FB7]  }
0x2f: {  	lr =	sadd.s32 s0, s3;
	s0 =	sld [smem:$0x3FAE]  }
0x30: {  	s3 =	sld [smem:$0x3FB1]  }
0x31: {  	[smem:$0x3FBA] =	sst s10  }
0x32: {  	s10 =	sld [smem:$0x3FB8];
	_ =	sdelay $0x3  }
0x33: {  	p0 =	seq.s32 s10, $0x1;
	s10 =	sld [smem:$0x3FBA];
	_ =	sdelay $0x3  }
0x34: {  	[smem:$0x3FBA] =	sst s10  }
0x35: {  	s10 =	sld [smem:$0x3FB9];
	_ =	sdelay $0x3  }
0x36: {  	p1 =	seq.s32 s10, $0x1;
	s10 =	sld [smem:$0x3FBA];
	_ =	sdelay $0x3  }
0x37: {  	[smem:$0x3FBA] =	sst s10  }
0x38: {  	s10 =	sld [smem:$0x3FBB]  }
0x39: {  	_ = 	snop;
	(pc) =	sbr.ind lr, $3  }
0x3a: {  	_ = 	snop  }
0x3b: {  	_ = 	snop  }
0x3c: {  	p2 =	seq.s32 s10, $0x1;
	s10 =	sld [smem:$0x3FBA]  }
0x3d: {  	_ =	shalt  }
0x3e: {  	_ =	shalt  }
0x3f: {  	_ =	shalt  }
0x40: {  	_ =	shalt  }
0x41: {  	_ =	shalt  }
0x42: {  	_ =	shalt  }
0x43: {  	_ =	shalt  }
0x44: {  	_ =	shalt  }
0x45: {  	_ =	shalt  }
0x46: {  	_ =	shalt  }
0x47: {  	_ =	shalt  }
0x48: {  	_ =	shalt  }
0x49: {  	_ =	shalt  }
0x4a: {  	_ =	shalt  }
0x4b: {  	_ =	shalt  }
0x4c: {  	_ =	shalt  }
0x4d: {  	_ =	shalt  }
0x4e: {  	_ =	shalt  }
0x4f: {  	_ =	shalt  }
0x50: {  	_ =	shalt  }
0x51: {  	_ =	shalt  }
0x52: {  	_ =	shalt  }
0x53: {  	_ =	shalt  }
0x54: {  	_ =	shalt  }
0x55: {  	_ =	shalt  }
0x56: {  	_ =	shalt  }
0x57: {  	_ =	shalt  }
0x58: {  	_ =	shalt  }
0x59: {  	_ =	shalt  }
0x5a: {  	_ =	shalt  }
0x5b: {  	_ =	shalt  }
0x5c: {  	_ =	shalt  }
0x5d: {  	_ =	shalt  }
0x5e: {  	_ =	shalt  }
0x5f: {  	_ =	shalt  }
0x60: {  	_ =	shalt  }
0x61: {  	_ =	shalt  }
0x62: {  	_ =	shalt  }
0x63: {  	_ =	shalt  }
0x64: {  	_ =	shalt  }
0x65: {  	_ =	shalt  }
0x66: {  	_ =	shalt  }
0x67: {  	_ =	shalt  }
0x68: {  	_ =	shalt  }
0x69: {  	_ =	shalt  }
0x6a: {  	_ =	shalt  }
0x6b: {  	_ =	shalt  }
0x6c: {  	_ =	shalt  }
0x6d: {  	_ =	shalt  }
0x6e: {  	_ =	shalt  }
0x6f: {  	_ =	shalt  }
0x70: {  	_ =	shalt  }
0x71: {  	_ =	shalt  }
0x72: {  	_ =	shalt  }
0x73: {  	_ =	shalt  }
0x74: {  	_ =	shalt  }
0x75: {  	_ =	shalt  }
0x76: {  	_ =	shalt  }
0x77: {  	_ =	shalt  }
0x78: {  	_ =	shalt  }
0x79: {  	_ =	shalt  }
0x7a: {  	_ =	shalt  }
0x7b: {  	_ =	shalt  }
0x7c: {  	_ =	shalt  }
0x7d: {  	_ =	shalt  }
0x7e: {  	_ =	shalt  }
0x7f: {  	_ =	shalt  }
0x80: {  	_ =	shalt  }
0x81: {  	_ =	shalt  }
0x82: {  	_ =	shalt  }
0x83: {  	_ =	shalt  }
0x84: {  	_ =	shalt  }
0x85: {  	_ =	shalt  }
0x86: {  	_ =	shalt  }
0x87: {  	_ =	shalt  }
.Lfunc_end0:
.L_simem_size_0:
called_computation_lowered:
.L_overlay_start_0:
0x88: {  	s0 =	sld [smem:$0x3FD9]  }
0x89: {  	s1 =	sld [smem:$0x3FFE];
	_ =	sdelay $0x1  }
0x8a: {  	s2 =	srdreg.scid  }
0x8b: {  	s3 =	sand.u32 $0x1, s2  }
0x8c: {  	s21 =	sshll.u32 s3, $0xA;
	s0 =	sadd.s32 s1, s0  }
0x8d: {  	s0 =	sadd.s32 s0, s21  }
0x8e: {  	[smem:$0x3FC6] =	sst s0  }
0x8f: {  	_ = 	snop  }
0x90: {  	s0 =	sld [smem:$0x3FD0];
	_ =	sdelay $0x2  }
0x91: {  	s22 =	simm.s32 $0xA;
	s4 =	simm.s32 $0x10  }
0x92: {  	[smem:s4], [sflag:s22] =	dma.local [hbm:s0], $0x1  }
0x93: {  	_ =	swait.eq [sflag:s22], $0x1  }
0x94: {  	[sflag:s22] =	ssyncset.done $0x0  }
0x95: {  	s24 =	simm.s32 $0x0;
	s23 =	sld [smem:$0x10];
	[sflag:s22] =	ssyncadd.s32 $0xFFFFFFFF  }
0x96: {  	[smem:$0xF] =	sst s24  }
0x97: {  	(tm) =	ssettm $0x1  }
0x98: {  	s5 =	sld [smem:$0x3FFB];
	_ =	sdelay $0x3  }
0x99: {  	_ =	strace s5  }
0x9a: {  	s5 =	sld [smem:$0x3FFC];
	_ =	sdelay $0x3  }
0x9b: {  	_ =	strace s5  }
0x9c: {  	s5 =	sld [smem:$0x3FFD];
	_ =	sdelay $0x3  }
0x9d: {  	_ =	strace s5  }
0x9e: {  	s25 =	simm.s32 $0x1B8B;
	_ =	strace $0x8FFFFFFF  }
0x9f: {  	_ =	swait.ge [sflag:s25], $0x1  }
0xa0: {  	s6 =	simm.s32 $0x1B8E;
	[sflag:s25] =	ssyncset.done $0x0  }
0xa1: {  	s7 =	simm.s32 $0x1;
	s8 =	simm.s32 $0x20;
	[sflag:s25] =	ssyncadd.s32 $0xFFFFFFFF  }
0xa2: {  	s9 =	simm.s32 $0x9;
	s28 =	sshll.u32 s3, $0x4;
	[smem:$0x3FD2] =	sst s6  }
0xa3: {  	s0 =	sadd.s32 s28, s23;
	s26 =	sld [smem:$0x3FFE];
	_ =	strace $0x80000046  }
0xa4: {  	[spmem:s24@s4], [sflag:s9] =	dma.strided [hbm:s0@s8], $0x8000, s7, $0x10   }
0xa5: {  	_ =	swait.ge [sflag:s9], $0x8000  }
0xa6: {  	[sflag:s9] =	ssyncset.done $0x0  }
0xa7: {  	s29 =	sadd.s32 s28, s26;
	[sflag:s9] =	ssyncadd.s32 $0xFFFF8000  }
0xa8: {  	s0 =	sadd.s32 $0x600, s29  }
0xa9: {  	[hbm:s0@s8], [sflag:s9] =	dma.strided [spmem:s24@s4], $0x8000, s7, $0x10   }
0xaa: {  	_ =	swait.ge [sflag:s9], $0x8000  }
0xab: {  	[sflag:s9] =	ssyncset.done $0x0  }
0xac: {  	[sflag:s9] =	ssyncadd.s32 $0xFFFF8000  }
0xad: {  	_ =	strace $0x90000046  }
0xae: {  	_ =	sfence  }
0xaf: {  	s30 =	sld [smem:$0x0];
	_ =	sdelay $0x2  }
0xb0: {  	s31 =	sshll.u32 s2, $0xD;
	s2 =	sshrl.u32 s2, $0x2  }
0xb1: {  	s1 =	sand.u32 $0x4000, s31;
	s0 =	sadd.s32 s2, s30  }
0xb2: {  	s1 =	sor.u32 s1, s3;
	s0 =	sshll.u32 s0, $0x11  }
0xb3: {  	s0 =	sor.u32 s0, s1  }
0xb4: {  	s0 =	sadd.s32 $0x8F2B, s0;
	(pc) =	sbr.abs _section_cstart, $3  }
0xb5: {  	[sflag:s0] =	ssyncadd.remote.s32 $0x1  }
0xb6: {  	_ =	strace $0x9FFFFFFF  }
0xb7: {  	(tm) =	ssettm $0x7FFFFFFF  }

</sc_bundles>
